<compile_context>
chip_gen: v7x
topology: tpu7x:2x2x1
jax: 0.10.2.dev20260603
libtpu: 0.0.44.dev20260713+nightly
codegen_flags: <defaults>
</compile_context>

<pallas_src>
import jax
import jax.numpy as jnp
from jax import lax
from jax.experimental import pallas as pl
from jax.experimental.pallas import tpu as pltpu
from jax.experimental.pallas import tpu_sc as plsc

B = 4
E = 16
H = 2048
D = 2048
RCHUNK = 256
NCHUNK = H // RCHUNK


def _reduce_body(x_ref, w_ref, b_ref, h_ref):
    c = pl.program_id(0)
    xb = x_ref[...]
    s = jnp.sum(xb, axis=2) * (1.0 / D) + jnp.max(xb, axis=2)
    part = lax.dot_general(
        s, w_ref[...], (((1,), (1,)), ((), ())),
        preferred_element_type=jnp.float32)

    @pl.when(c == 0)
    def _():
        h_ref[...] = jnp.broadcast_to(b_ref[...], (B, E))

    h_ref[...] += part

    @pl.when(c == NCHUNK - 1)
    def _():
        hv = h_ref[...]
        h_ref[...] = jnp.where(hv >= 0.0, hv, 0.2 * hv)


def _gate_logits(x, W, b):
    return pl.pallas_call(
        _reduce_body,
        grid=(NCHUNK,),
        in_specs=[
            pl.BlockSpec((B, RCHUNK, D), lambda c: (0, c, 0)),
            pl.BlockSpec((E, RCHUNK), lambda c: (0, c)),
            pl.BlockSpec((1, E), lambda c: (0, 0)),
        ],
        out_specs=pl.BlockSpec((B, E), lambda c: (0, 0)),
        out_shape=jax.ShapeDtypeStruct((B, E), jnp.float32),
    )(x, W, b.reshape(1, E))


def _route_body(h_hbm, gat_hbm, mask_hbm, hv_ref, gv_ref, mv_ref):
    sid = lax.axis_index("s")

    @pl.when(sid < B)
    def _():
        pltpu.sync_copy(h_hbm.at[sid], hv_ref)
        hv = hv_ref[...]
        m1 = jnp.max(hv)
        is1 = hv == m1
        first1 = is1 & (jnp.cumsum(is1.astype(jnp.int32)) == 1)
        h2 = jnp.where(first1, -jnp.inf, hv)
        m2 = jnp.max(h2)
        is2 = h2 == m2
        first2 = is2 & (jnp.cumsum(is2.astype(jnp.int32)) == 1)
        mask = first1 | first2
        e = jnp.where(mask, jnp.exp(hv - m1), 0.0)
        gv_ref[...] = e / jnp.sum(e)
        mv_ref[...] = jnp.where(mask, 1.0, 0.0)
        pltpu.sync_copy(gv_ref, gat_hbm.at[sid])
        pltpu.sync_copy(mv_ref, mask_hbm.at[sid])


def _route_sc(h):
    f = pl.kernel(
        _route_body,
        out_type=[
            jax.ShapeDtypeStruct((B, E), jnp.float32),
            jax.ShapeDtypeStruct((B, E), jnp.float32),
        ],
        mesh=plsc.VectorSubcoreMesh(
            core_axis_name="c", subcore_axis_name="s",
            num_cores=1, num_subcores=B),
        scratch_types=[
            pltpu.VMEM((E,), jnp.float32),
            pltpu.VMEM((E,), jnp.float32),
            pltpu.VMEM((E,), jnp.float32),
        ],
        compiler_params=pltpu.CompilerParams(needs_layout_passes=False),
    )
    return f(h)


def kernel(x, W, b):
    h = _gate_logits(x, W, b)
    gating_coeffs, mask = _route_sc(h)
    return (gating_coeffs, mask)

# --- scband reference (transcript-rebuilt; emitter-appended) ---
"""Pipeline reference for scband-gate-network-1623497638568 (READ-ONLY COPY).

The authoritative reference and input builder live on the scoring server;
editing this copy changes nothing except your own understanding.
"""

import jax, jax.numpy as jnp
import numpy as np


def setup_inputs(seed: int = 0) -> dict:
    key = jax.random.key(seed)
    k1, k2, k3 = jax.random.split(key, 3)
    x = jax.random.normal(k1, (4, 2048, 2048), dtype=jnp.float32)
    # fc1: Linear(input_size=2048 -> num_experts=16). Torch zero-inits the weight,
    # which makes topk degenerate; use small random weights for a meaningful reference.
    W = jax.random.normal(k2, (16, 2048), dtype=jnp.float32) * 0.02
    b = jax.random.normal(k3, (16,), dtype=jnp.float32) * 0.02
    return {"x": x, "W": W, "b": b}


def reference(x, W, b):
    top_k = 2
    # x = x.mean(dim=-1) + x.max(dim=-1).values
    s = jnp.mean(x, axis=-1) + jnp.max(x, axis=-1)
    # fc1
    h = s @ W.T + b
    # LeakyReLU(0.2)
    h = jnp.where(h >= 0, h, 0.2 * h)
    # topk over experts (dim=1)
    topk_values, topk_indices = jax.lax.top_k(h, top_k)
    B = h.shape[0]
    # mask = zeros.scatter_(dim=1, index=topk_indices, value=1.0)
    mask = jnp.zeros_like(h).at[jnp.arange(B)[:, None], topk_indices].set(1.0)
    # x[~mask.bool()] = -inf
    hm = jnp.where(mask.astype(bool), h, -jnp.inf)
    gating_coeffs = jax.nn.softmax(hm, axis=1)
    return (gating_coeffs, mask)

if __name__ == "__main__":
    import jax
    _d = setup_inputs()
    print(jax.jit(kernel)(*tuple(_d.values())))

</pallas_src>

<mosaic_0001>
#map = affine_map<(d0, d1) -> (0, 0)>
module attributes {stable_mosaic.version = 14 : i64} {
  func.func @_route_body(%arg0: i32, %arg1: i32, %arg2: memref<4x16xf32, #tpu.memory_space<hbm>>, %arg3: memref<4x16xf32, #tpu.memory_space<hbm>>, %arg4: memref<4x16xf32, #tpu.memory_space<hbm>>, %arg5: memref<16xf32, #tpu.memory_space<vmem>>, %arg6: memref<16xf32, #tpu.memory_space<vmem>>, %arg7: memref<16xf32, #tpu.memory_space<vmem>>) attributes {dimension_semantics = [#tpu.dimension_semantics<core_parallel>, #tpu.dimension_semantics<subcore_parallel>], iteration_bounds = array<i64: 1, 4>, scalar_prefetch = 0 : i64, scratch_operands = 3 : i64, tpu.core_type = #tpu.core_type<sc_vector_subcore>, window_params = [{transform_indices = #map}, {transform_indices = #map}, {transform_indices = #map}]} {
    %lt3A = arith.constant 4 : i32
    %lt3A_0 = arith.cmpi slt, %arg1, %lt3A : i32
    %convert_element_type3A = arith.extui %lt3A_0 : i1 to i32
    %cond3A = arith.constant 0 : i32
    %cond3A_1 = arith.cmpi ne, %convert_element_type3A, %cond3A : i32
    scf.if %cond3A_1 {
      "tpu.region"() ({
        %run_scoped3A = tpu.sem_alloc : memref<!tpu.dma_semaphore, #tpu.memory_space<semaphore_mem>>
        %dma_start3A = arith.constant 0 : i32
        %dma_start3A_43 = tpu.memref_slice %arg2[%arg1, %dma_start3A] : memref<4x16xf32, #tpu.memory_space<hbm>> -> memref<1x16xf32, #tpu.memory_space<hbm>>
        %dma_start3A_44 = tpu.memref_squeeze %dma_start3A_43 : memref<1x16xf32, #tpu.memory_space<hbm>> -> memref<16xf32, #tpu.memory_space<hbm>>
        %dma_start3A_45 = arith.constant 0 : i32
        %dma_start3A_46 = tpu.memref_slice %arg2[%arg1, %dma_start3A_45] : memref<4x16xf32, #tpu.memory_space<hbm>> -> memref<1x16xf32, #tpu.memory_space<hbm>>
        %dma_start3A_47 = tpu.memref_squeeze %dma_start3A_46 : memref<1x16xf32, #tpu.memory_space<hbm>> -> memref<16xf32, #tpu.memory_space<hbm>>
        tpu.enqueue_dma source(%dma_start3A_47 : memref<16xf32, #tpu.memory_space<hbm>>) target(%arg5 : memref<16xf32, #tpu.memory_space<vmem>>) target_semaphore(%run_scoped3A : memref<!tpu.dma_semaphore, #tpu.memory_space<semaphore_mem>>)
        %dma_wait3A = arith.constant 0 : i32
        %dma_wait3A_48 = tpu.memref_slice %arg2[%arg1, %dma_wait3A] : memref<4x16xf32, #tpu.memory_space<hbm>> -> memref<1x16xf32, #tpu.memory_space<hbm>>
        %dma_wait3A_49 = tpu.memref_squeeze %dma_wait3A_48 : memref<1x16xf32, #tpu.memory_space<hbm>> -> memref<16xf32, #tpu.memory_space<hbm>>
        %dma_wait3A_50 = arith.constant 0 : i32
        %dma_wait3A_51 = tpu.memref_slice %arg2[%arg1, %dma_wait3A_50] : memref<4x16xf32, #tpu.memory_space<hbm>> -> memref<1x16xf32, #tpu.memory_space<hbm>>
        %dma_wait3A_52 = tpu.memref_squeeze %dma_wait3A_51 : memref<1x16xf32, #tpu.memory_space<hbm>> -> memref<16xf32, #tpu.memory_space<hbm>>
        tpu.wait_dma2 semaphore(%run_scoped3A : memref<!tpu.dma_semaphore, #tpu.memory_space<semaphore_mem>>) src(%dma_wait3A_52 : memref<16xf32, #tpu.memory_space<hbm>>) dst(%arg5 : memref<16xf32, #tpu.memory_space<vmem>>)
        tpu.yield
      }) : () -> ()
      %get3A = arith.constant 0 : index
      %get3A_2 = tpu.vector_load %arg5[%get3A] {strides = array<i32>} : memref<16xf32, #tpu.memory_space<vmem>>, vector<16xf32>,
      %reduce_max3A = arith.constant true
      %reduce_max3A_3 = vector.broadcast %reduce_max3A : i1 to vector<16xi1>
      %reduce_max3A_4 = tpu.scan <max>, %get3A_2 masked %reduce_max3A_3 : vector<16xf32>, vector<16xi1> -> vector<16xf32>
      %reduce_max3A_5 = vector.extract %reduce_max3A_4[15] : f32 from vector<16xf32>
      %eq3A = vector.broadcast %reduce_max3A_5 : f32 to vector<16xf32>
      %eq3A_6 = arith.cmpf oeq, %get3A_2, %eq3A : vector<16xf32>
      %convert_element_type3A_7 = arith.extui %eq3A_6 : vector<16xi1> to vector<16xi32>
      %cumsum3A = arith.constant true
      %cumsum3A_8 = vector.broadcast %cumsum3A : i1 to vector<16xi1>
      %cumsum3A_9 = tpu.scan <sum>, %convert_element_type3A_7 masked %cumsum3A_8 : vector<16xi32>, vector<16xi1> -> vector<16xi32>
      %eq3A_10 = arith.constant 1 : i32
      %eq3A_11 = vector.broadcast %eq3A_10 : i32 to vector<16xi32>
      %eq3A_12 = arith.cmpi eq, %cumsum3A_9, %eq3A_11 : vector<16xi32>
      %and3A = arith.andi %eq3A_6, %eq3A_12 : vector<16xi1>
      %jit3A = arith.constant 0xFF800000 : f32
      %broadcast_in_dim3A = vector.broadcast %jit3A : f32 to vector<16xf32>
      %select_n3A = arith.select %and3A, %broadcast_in_dim3A, %get3A_2 : vector<16xi1>, vector<16xf32>
      %reduce_max3A_13 = arith.constant true
      %reduce_max3A_14 = vector.broadcast %reduce_max3A_13 : i1 to vector<16xi1>
      %reduce_max3A_15 = tpu.scan <max>, %select_n3A masked %reduce_max3A_14 : vector<16xf32>, vector<16xi1> -> vector<16xf32>
      %reduce_max3A_16 = vector.extract %reduce_max3A_15[15] : f32 from vector<16xf32>
      %eq3A_17 = vector.broadcast %reduce_max3A_16 : f32 to vector<16xf32>
      %eq3A_18 = arith.cmpf oeq, %select_n3A, %eq3A_17 : vector<16xf32>
      %convert_element_type3A_19 = arith.extui %eq3A_18 : vector<16xi1> to vector<16xi32>
      %cumsum3A_20 = arith.constant true
      %cumsum3A_21 = vector.broadcast %cumsum3A_20 : i1 to vector<16xi1>
      %cumsum3A_22 = tpu.scan <sum>, %convert_element_type3A_19 masked %cumsum3A_21 : vector<16xi32>, vector<16xi1> -> vector<16xi32>
      %eq3A_23 = arith.constant 1 : i32
      %eq3A_24 = vector.broadcast %eq3A_23 : i32 to vector<16xi32>
      %eq3A_25 = arith.cmpi eq, %cumsum3A_22, %eq3A_24 : vector<16xi32>
      %and3A_26 = arith.andi %eq3A_18, %eq3A_25 : vector<16xi1>
      %or3A = arith.ori %and3A, %and3A_26 : vector<16xi1>
      %sub3A = vector.broadcast %reduce_max3A_5 : f32 to vector<16xf32>
      %sub3A_27 = arith.subf %get3A_2, %sub3A : vector<16xf32>
      %exp3A = math.exp %sub3A_27 : vector<16xf32>
      %jit3A_28 = arith.constant 0.000000e+00 : f32
      %broadcast_in_dim3A_29 = vector.broadcast %jit3A_28 : f32 to vector<16xf32>
      %select_n3A_30 = arith.select %or3A, %exp3A, %broadcast_in_dim3A_29 : vector<16xi1>, vector<16xf32>
      %reduce_sum3A = arith.constant true
      %reduce_sum3A_31 = vector.broadcast %reduce_sum3A : i1 to vector<16xi1>
      %reduce_sum3A_32 = tpu.scan <sum>, %select_n3A_30 masked %reduce_sum3A_31 : vector<16xf32>, vector<16xi1> -> vector<16xf32>
      %reduce_sum3A_33 = vector.extract %reduce_sum3A_32[15] : f32 from vector<16xf32>
      %div3A = vector.broadcast %reduce_sum3A_33 : f32 to vector<16xf32>
      %div3A_34 = arith.divf %select_n3A_30, %div3A : vector<16xf32>
      %swap3A = arith.constant 0 : index
      %swap3A_35 = tpu.vector_load %arg6[%swap3A] {strides = array<i32>} : memref<16xf32, #tpu.memory_space<vmem>>, vector<16xf32>,
      tpu.vector_store %arg6[%swap3A], %div3A_34 {strides = array<i32>} : memref<16xf32, #tpu.memory_space<vmem>>, vector<16xf32>,
      %jit3A_36 = arith.constant 1.000000e+00 : f32
      %jit3A_37 = arith.constant 0.000000e+00 : f32
      %broadcast_in_dim3A_38 = vector.broadcast %jit3A_36 : f32 to vector<16xf32>
      %broadcast_in_dim3A_39 = vector.broadcast %jit3A_37 : f32 to vector<16xf32>
      %select_n3A_40 = arith.select %or3A, %broadcast_in_dim3A_38, %broadcast_in_dim3A_39 : vector<16xi1>, vector<16xf32>
      %swap3A_41 = arith.constant 0 : index
      %swap3A_42 = tpu.vector_load %arg7[%swap3A_41] {strides = array<i32>} : memref<16xf32, #tpu.memory_space<vmem>>, vector<16xf32>,
      tpu.vector_store %arg7[%swap3A_41], %select_n3A_40 {strides = array<i32>} : memref<16xf32, #tpu.memory_space<vmem>>, vector<16xf32>,
      "tpu.region"() ({
        %run_scoped3A = tpu.sem_alloc : memref<!tpu.dma_semaphore, #tpu.memory_space<semaphore_mem>>
        %dma_start3A = arith.constant 0 : i32
        %dma_start3A_43 = tpu.memref_slice %arg3[%arg1, %dma_start3A] : memref<4x16xf32, #tpu.memory_space<hbm>> -> memref<1x16xf32, #tpu.memory_space<hbm>>
        %dma_start3A_44 = tpu.memref_squeeze %dma_start3A_43 : memref<1x16xf32, #tpu.memory_space<hbm>> -> memref<16xf32, #tpu.memory_space<hbm>>
        %dma_start3A_45 = arith.constant 0 : i32
        %dma_start3A_46 = tpu.memref_slice %arg3[%arg1, %dma_start3A_45] : memref<4x16xf32, #tpu.memory_space<hbm>> -> memref<1x16xf32, #tpu.memory_space<hbm>>
        %dma_start3A_47 = tpu.memref_squeeze %dma_start3A_46 : memref<1x16xf32, #tpu.memory_space<hbm>> -> memref<16xf32, #tpu.memory_space<hbm>>
        tpu.enqueue_dma source(%arg6 : memref<16xf32, #tpu.memory_space<vmem>>) target(%dma_start3A_47 : memref<16xf32, #tpu.memory_space<hbm>>) target_semaphore(%run_scoped3A : memref<!tpu.dma_semaphore, #tpu.memory_space<semaphore_mem>>)
        %dma_wait3A = arith.constant 0 : i32
        %dma_wait3A_48 = tpu.memref_slice %arg3[%arg1, %dma_wait3A] : memref<4x16xf32, #tpu.memory_space<hbm>> -> memref<1x16xf32, #tpu.memory_space<hbm>>
        %dma_wait3A_49 = tpu.memref_squeeze %dma_wait3A_48 : memref<1x16xf32, #tpu.memory_space<hbm>> -> memref<16xf32, #tpu.memory_space<hbm>>
        %dma_wait3A_50 = arith.constant 0 : i32
        %dma_wait3A_51 = tpu.memref_slice %arg3[%arg1, %dma_wait3A_50] : memref<4x16xf32, #tpu.memory_space<hbm>> -> memref<1x16xf32, #tpu.memory_space<hbm>>
        %dma_wait3A_52 = tpu.memref_squeeze %dma_wait3A_51 : memref<1x16xf32, #tpu.memory_space<hbm>> -> memref<16xf32, #tpu.memory_space<hbm>>
        tpu.wait_dma2 semaphore(%run_scoped3A : memref<!tpu.dma_semaphore, #tpu.memory_space<semaphore_mem>>) src(%arg6 : memref<16xf32, #tpu.memory_space<vmem>>) dst(%dma_wait3A_52 : memref<16xf32, #tpu.memory_space<hbm>>)
        tpu.yield
      }) : () -> ()
      "tpu.region"() ({
        %run_scoped3A = tpu.sem_alloc : memref<!tpu.dma_semaphore, #tpu.memory_space<semaphore_mem>>
        %dma_start3A = arith.constant 0 : i32
        %dma_start3A_43 = tpu.memref_slice %arg4[%arg1, %dma_start3A] : memref<4x16xf32, #tpu.memory_space<hbm>> -> memref<1x16xf32, #tpu.memory_space<hbm>>
        %dma_start3A_44 = tpu.memref_squeeze %dma_start3A_43 : memref<1x16xf32, #tpu.memory_space<hbm>> -> memref<16xf32, #tpu.memory_space<hbm>>
        %dma_start3A_45 = arith.constant 0 : i32
        %dma_start3A_46 = tpu.memref_slice %arg4[%arg1, %dma_start3A_45] : memref<4x16xf32, #tpu.memory_space<hbm>> -> memref<1x16xf32, #tpu.memory_space<hbm>>
        %dma_start3A_47 = tpu.memref_squeeze %dma_start3A_46 : memref<1x16xf32, #tpu.memory_space<hbm>> -> memref<16xf32, #tpu.memory_space<hbm>>
        tpu.enqueue_dma source(%arg7 : memref<16xf32, #tpu.memory_space<vmem>>) target(%dma_start3A_47 : memref<16xf32, #tpu.memory_space<hbm>>) target_semaphore(%run_scoped3A : memref<!tpu.dma_semaphore, #tpu.memory_space<semaphore_mem>>)
        %dma_wait3A = arith.constant 0 : i32
        %dma_wait3A_48 = tpu.memref_slice %arg4[%arg1, %dma_wait3A] : memref<4x16xf32, #tpu.memory_space<hbm>> -> memref<1x16xf32, #tpu.memory_space<hbm>>
        %dma_wait3A_49 = tpu.memref_squeeze %dma_wait3A_48 : memref<1x16xf32, #tpu.memory_space<hbm>> -> memref<16xf32, #tpu.memory_space<hbm>>
        %dma_wait3A_50 = arith.constant 0 : i32
        %dma_wait3A_51 = tpu.memref_slice %arg4[%arg1, %dma_wait3A_50] : memref<4x16xf32, #tpu.memory_space<hbm>> -> memref<1x16xf32, #tpu.memory_space<hbm>>
        %dma_wait3A_52 = tpu.memref_squeeze %dma_wait3A_51 : memref<1x16xf32, #tpu.memory_space<hbm>> -> memref<16xf32, #tpu.memory_space<hbm>>
        tpu.wait_dma2 semaphore(%run_scoped3A : memref<!tpu.dma_semaphore, #tpu.memory_space<semaphore_mem>>) src(%arg7 : memref<16xf32, #tpu.memory_space<vmem>>) dst(%dma_wait3A_52 : memref<16xf32, #tpu.memory_space<hbm>>)
        tpu.yield
      }) : () -> ()
    } else {
    }
    return
  }
}

module attributes {stable_mosaic.version = 14 : i64} {
  func.func @_reduce_body(%arg0: i32, %arg1: memref<4x256x2048xf32, #tpu.memory_space<vmem>>, %arg2: memref<16x256xf32, #tpu.memory_space<vmem>>, %arg3: memref<1x16xf32, #tpu.memory_space<vmem>>, %arg4: memref<4x16xf32, #tpu.memory_space<vmem>>) attributes {dimension_semantics = [#tpu.dimension_semantics<arbitrary>], iteration_bounds = array<i64: 8>, scalar_prefetch = 0 : i64, scratch_operands = 0 : i64, tpu.core_type = #tpu.core_type<tc>, window_params = [{transform_indices = @transform_0, window_bounds = array<i64: 4, 256, 2048>}, {transform_indices = @transform_1, window_bounds = array<i64: 16, 256>}, {pipeline_mode = #tpu.pipeline_mode<synchronous>, transform_indices = @transform_2, window_bounds = array<i64: 1, 16>}, {pipeline_mode = #tpu.pipeline_mode<synchronous>, transform_indices = @transform_3, window_bounds = array<i64: 4, 16>}]} {
    %get3A = arith.constant 0 : index
    %get3A_0 = arith.constant 0 : index
    %get3A_1 = arith.constant 0 : index
    %get3A_2 = vector.load %arg1[%get3A, %get3A_0, %get3A_1] : memref<4x256x2048xf32, #tpu.memory_space<vmem>>, vector<4x256x2048xf32>
    %reduce_sum3A = arith.constant dense<0.000000e+00> : vector<4x256xf32>
    %reduce_sum3A_3 = vector.multi_reduction <add>, %get3A_2, %reduce_sum3A [2] : vector<4x256x2048xf32> to vector<4x256xf32>
    %mul3A = arith.constant 4.8828125E-4 : f32
    %mul3A_4 = vector.broadcast %mul3A : f32 to vector<4x256xf32>
    %mul3A_5 = arith.mulf %reduce_sum3A_3, %mul3A_4 : vector<4x256xf32>
    %reduce_max3A = arith.constant dense<0xFF800000> : vector<4x256xf32>
    %reduce_max3A_6 = vector.multi_reduction <maximumf>, %get3A_2, %reduce_max3A [2] : vector<4x256x2048xf32> to vector<4x256xf32>
    %add3A = arith.addf %mul3A_5, %reduce_max3A_6 : vector<4x256xf32>
    %get3A_7 = arith.constant 0 : index
    %get3A_8 = arith.constant 0 : index
    %get3A_9 = vector.load %arg2[%get3A_7, %get3A_8] : memref<16x256xf32, #tpu.memory_space<vmem>>, vector<16x256xf32>
    %dot_general3A = arith.constant dense<0.000000e+00> : vector<4x16xf32>
    %dot_general3A_10 = tpu.matmul %add3A, %get3A_9, %dot_general3A {dimension_numbers = #tpu.dot_dimension_numbers<[1], [1], [0], [0], [0, 0, 1, 0], [], []>, transpose_lhs_hint = false} : vector<4x256xf32>, vector<16x256xf32>, vector<4x16xf32> -> vector<4x16xf32>
    %eq3A = arith.constant 0 : i32
    %eq3A_11 = arith.cmpi eq, %arg0, %eq3A : i32
    %convert_element_type3A = arith.extui %eq3A_11 : i1 to i32
    %cond3A = arith.constant 0 : i32
    %cond3A_12 = arith.cmpi ne, %convert_element_type3A, %cond3A : i32
    scf.if %cond3A_12 {
      %get3A_24 = arith.constant 0 : index
      %get3A_25 = arith.constant 0 : index
      %get3A_26 = vector.load %arg3[%get3A_24, %get3A_25] : memref<1x16xf32, #tpu.memory_space<vmem>>, vector<1x16xf32>
      %broadcast_in_dim3A = vector.shape_cast %get3A_26 : vector<1x16xf32> to vector<1x16xf32>
      %broadcast_in_dim3A_27 = vector.broadcast %broadcast_in_dim3A : vector<1x16xf32> to vector<4x16xf32>
      %swap3A_28 = arith.constant 0 : index
      %swap3A_29 = arith.constant 0 : index
      %swap3A_30 = vector.load %arg4[%swap3A_28, %swap3A_29] : memref<4x16xf32, #tpu.memory_space<vmem>>, vector<4x16xf32>
      tpu.vector_store %arg4[%swap3A_28, %swap3A_29], %broadcast_in_dim3A_27 {strides = array<i32>} : memref<4x16xf32, #tpu.memory_space<vmem>>, vector<4x16xf32>,
    } else {
    }
    %get3A_13 = arith.constant 0 : index
    %get3A_14 = arith.constant 0 : index
    %get3A_15 = vector.load %arg4[%get3A_13, %get3A_14] : memref<4x16xf32, #tpu.memory_space<vmem>>, vector<4x16xf32>
    %add3A_16 = arith.addf %get3A_15, %dot_general3A_10 : vector<4x16xf32>
    %swap3A = arith.constant 0 : index
    %swap3A_17 = arith.constant 0 : index
    %swap3A_18 = vector.load %arg4[%swap3A, %swap3A_17] : memref<4x16xf32, #tpu.memory_space<vmem>>, vector<4x16xf32>
    tpu.vector_store %arg4[%swap3A, %swap3A_17], %add3A_16 {strides = array<i32>} : memref<4x16xf32, #tpu.memory_space<vmem>>, vector<4x16xf32>,
    %eq3A_19 = arith.constant 7 : i32
    %eq3A_20 = arith.cmpi eq, %arg0, %eq3A_19 : i32
    %convert_element_type3A_21 = arith.extui %eq3A_20 : i1 to i32
    %cond3A_22 = arith.constant 0 : i32
    %cond3A_23 = arith.cmpi ne, %convert_element_type3A_21, %cond3A_22 : i32
    scf.if %cond3A_23 {
      %get3A_24 = arith.constant 0 : index
      %get3A_25 = arith.constant 0 : index
      %get3A_26 = vector.load %arg4[%get3A_24, %get3A_25] : memref<4x16xf32, #tpu.memory_space<vmem>>, vector<4x16xf32>
      %ge3A = arith.constant 0.000000e+00 : f32
      %ge3A_27 = vector.broadcast %ge3A : f32 to vector<4x16xf32>
      %ge3A_28 = arith.cmpf oge, %get3A_26, %ge3A_27 : vector<4x16xf32>
      %mul3A_29 = arith.constant 2.000000e-01 : f32
      %mul3A_30 = vector.broadcast %mul3A_29 : f32 to vector<4x16xf32>
      %mul3A_31 = arith.mulf %mul3A_30, %get3A_26 : vector<4x16xf32>
      %select_n3A = arith.select %ge3A_28, %get3A_26, %mul3A_31 : vector<4x16xi1>, vector<4x16xf32>
      %swap3A_32 = arith.constant 0 : index
      %swap3A_33 = arith.constant 0 : index
      %swap3A_34 = vector.load %arg4[%swap3A_32, %swap3A_33] : memref<4x16xf32, #tpu.memory_space<vmem>>, vector<4x16xf32>
      tpu.vector_store %arg4[%swap3A_32, %swap3A_33], %select_n3A {strides = array<i32>} : memref<4x16xf32, #tpu.memory_space<vmem>>, vector<4x16xf32>,
    } else {
    }
    return
  }
  func.func @transform_0(%arg0: i32) -> (i32, i32, i32) {
    %c0_i32 = arith.constant 0 : i32
    %c0_i32_0 = arith.constant 0 : i32
    %c0_i32_1 = arith.constant 0 : i32
    return %c0_i32, %arg0, %c0_i32_0 : i32, i32, i32
  }
  func.func @transform_1(%arg0: i32) -> (i32, i32) {
    %c0_i32 = arith.constant 0 : i32
    %c0_i32_0 = arith.constant 0 : i32
    return %c0_i32, %arg0 : i32, i32
  }
  func.func @transform_2(%arg0: i32) -> (i32, i32) {
    %c0_i32 = arith.constant 0 : i32
    %c0_i32_0 = arith.constant 0 : i32
    %c0_i32_1 = arith.constant 0 : i32
    return %c0_i32, %c0_i32_0 : i32, i32
  }
  func.func @transform_3(%arg0: i32) -> (i32, i32) {
    %c0_i32 = arith.constant 0 : i32
    %c0_i32_0 = arith.constant 0 : i32
    %c0_i32_1 = arith.constant 0 : i32
    return %c0_i32, %c0_i32_0 : i32, i32
  }
}

</mosaic_0001>

<sc_bundles>
// kernel: kernel.4.cloned.1.call-start
scs
__scs_entry_jumppad:
0x0: {  	(pc) =	sbr.rel $0x88, $3  }
0x1: {  	(tag) =	ssettag $0x0;
	lr =	simm.s32 $0x1  }
0x2: {  	[smem:$0x3F9E] =	sst lr;
	_ =	strace $0xD0000000  }
0x3: {  	_ = 	snop  }
0x4: {  	_ = 	snop  }
0x5: {  	_ = 	snop  }
0x6: {  	_ = 	snop  }
0x7: {  	_ = 	snop  }
__scs_overlays_trampoline_lowered:
0x8: {  	[smem:$0x3FAD] =	sst s0  }
0x9: {  	[smem:$0x3FAE] =	sst s1  }
0xa: {  	[smem:$0x3FAF] =	sst s2  }
0xb: {  	[smem:$0x3FB0] =	sst s3  }
0xc: {  	[smem:$0x3FB1] =	sst s4  }
0xd: {  	[smem:$0x3FB2] =	sst s5  }
0xe: {  	[smem:$0x3FB3] =	sst s6  }
0xf: {  	[smem:$0x3FB4] =	sst s7  }
0x10: {  	[smem:$0x3FB5] =	sst s8  }
0x11: {  	[smem:$0x3FB6] =	sst s9;
	s0 =	simm.s32 @!p0 $0x0  }
0x12: {  	s1 =	sld [smem:$0x3F9C];
	s0 =	simm.s32 @p0 $0x1  }
0x13: {  	[smem:$0x3FB7] =	sst s0;
	s0 =	simm.s32 @!p1 $0x0  }
0x14: {  	s2 =	sld [smem:$0x3F9B];
	s0 =	simm.s32 @p1 $0x1  }
0x15: {  	[smem:$0x3FB8] =	sst s0;
	s0 =	simm.s32 @!p2 $0x0  }
0x16: {  	s3 =	sld [smem:$0x3FDB];
	s0 =	simm.s32 @p2 $0x1  }
0x17: {  	s4 =	simm.s32 $0x1BF5;
	[smem:$0x3FBA] =	sst s0  }
0x18: {  	s0 =	sld [smem:$0x3F9D];
	_ =	swait.ge [sflag:s4], $0x0  }
0x19: {  	s7 =	sld [smem:$0x3F9E]  }
0x1a: {  	s8 =	sadd.s32 $0xFFFFE003, lr  }
0x1b: {  	s9 =	sadd.s32 $0xFFFFFEF7, lr;
	s5 =	simm.s32 $0xFFFFFFFF;
	p2 =	slt.u32 s8, $0xFFFFF086  }
0x1c: {  	p1 =	slt.u32 s9, $0xF7A;
	s5 =	simm.s32 @!p2 $0x0  }
0x1d: {  	s5 =	simm.s32 @p1 $0x1;
	p0 =	seq.s32 s7, s2  }
0x1e: {  	s7 =	smul.u32 @!p0 $0xF7A, s2;
	p2 =	seq.s32 @!p0 s5, $0x0  }
0x1f: {  	s9 =	smul.u32 $0xF7A, s1;
	s8 =	simm.s32 @!p0 $0x1BF5;
	p2 =	por !p2, p0  }
0x20: {  	[sflag:s8] =	ssyncset.s32 @!p0 $0xFFFFF086;
	s6 =	sadd.s32 @!p0 s3, s7;
	s7 =	simm.s32 @!p0 $0x108  }
0x21: {  	s3 =	sadd.s32 s3, s9;
	s6 =	sadd.s32 @!p0 $0x88, s6;
	s7 =	simm.s32 @p2 $0x1082  }
0x22: {  	[simem:s7], [sflag:s8] =	dma.local @!p0 [hbm:s6], $0xF7A  }
0x23: {  	s9 =	sor.u32 $0xD0000000, s2;
	s6 =	simm.s32 $0x108;
	_ =	swait.ge @!p0 [sflag:s8], $0x0  }
0x24: {  	s3 =	sadd.s32 $0x88, s3;
	s6 =	simm.s32 @!p1 $0x1082;
	[sflag:s4] =	ssyncset.s32 $0xFFFFF086  }
0x25: {  	[simem:s6], [sflag:s4] =	dma.local [hbm:s3], $0xF7A  }
0x26: {  	[smem:$0x3F9E] =	sst s1;
	(tag) =	ssettag s2;
	_ =	strace s9  }
0x27: {  	s1 =	sld [smem:$0x3FAE]  }
0x28: {  	s2 =	sld [smem:$0x3FAF]  }
0x29: {  	s4 =	sld [smem:$0x3FB1]  }
0x2a: {  	p0 =	seq.s32 s5, $0x0;
	s5 =	sld [smem:$0x3FB2]  }
0x2b: {  	s6 =	sld [smem:$0x3FB3]  }
0x2c: {  	s7 =	sld [smem:$0x3FB4]  }
0x2d: {  	s3 =	simm.s32 $0x108;
	s8 =	sld [smem:$0x3FB5]  }
0x2e: {  	s3 =	simm.s32 @!p0 $0x1082;
	s9 =	sld [smem:$0x3FB6]  }
0x2f: {  	lr =	sadd.s32 s0, s3;
	s0 =	sld [smem:$0x3FAD]  }
0x30: {  	s3 =	sld [smem:$0x3FB0]  }
0x31: {  	[smem:$0x3FB9] =	sst s10  }
0x32: {  	s10 =	sld [smem:$0x3FB7];
	_ =	sdelay $0x3  }
0x33: {  	p0 =	seq.s32 s10, $0x1;
	s10 =	sld [smem:$0x3FB9];
	_ =	sdelay $0x3  }
0x34: {  	[smem:$0x3FB9] =	sst s10  }
0x35: {  	s10 =	sld [smem:$0x3FB8];
	_ =	sdelay $0x3  }
0x36: {  	p1 =	seq.s32 s10, $0x1;
	s10 =	sld [smem:$0x3FB9];
	_ =	sdelay $0x3  }
0x37: {  	[smem:$0x3FB9] =	sst s10  }
0x38: {  	s10 =	sld [smem:$0x3FBA]  }
0x39: {  	_ = 	snop;
	(pc) =	sbr.ind lr, $3  }
0x3a: {  	_ = 	snop  }
0x3b: {  	_ = 	snop  }
0x3c: {  	p2 =	seq.s32 s10, $0x1;
	s10 =	sld [smem:$0x3FB9]  }
0x3d: {  	_ =	shalt  }
0x3e: {  	_ =	shalt  }
0x3f: {  	_ =	shalt  }
0x40: {  	_ =	shalt  }
0x41: {  	_ =	shalt  }
0x42: {  	_ =	shalt  }
0x43: {  	_ =	shalt  }
0x44: {  	_ =	shalt  }
0x45: {  	_ =	shalt  }
0x46: {  	_ =	shalt  }
0x47: {  	_ =	shalt  }
0x48: {  	_ =	shalt  }
0x49: {  	_ =	shalt  }
0x4a: {  	_ =	shalt  }
0x4b: {  	_ =	shalt  }
0x4c: {  	_ =	shalt  }
0x4d: {  	_ =	shalt  }
0x4e: {  	_ =	shalt  }
0x4f: {  	_ =	shalt  }
0x50: {  	_ =	shalt  }
0x51: {  	_ =	shalt  }
0x52: {  	_ =	shalt  }
0x53: {  	_ =	shalt  }
0x54: {  	_ =	shalt  }
0x55: {  	_ =	shalt  }
0x56: {  	_ =	shalt  }
0x57: {  	_ =	shalt  }
0x58: {  	_ =	shalt  }
0x59: {  	_ =	shalt  }
0x5a: {  	_ =	shalt  }
0x5b: {  	_ =	shalt  }
0x5c: {  	_ =	shalt  }
0x5d: {  	_ =	shalt  }
0x5e: {  	_ =	shalt  }
0x5f: {  	_ =	shalt  }
0x60: {  	_ =	shalt  }
0x61: {  	_ =	shalt  }
0x62: {  	_ =	shalt  }
0x63: {  	_ =	shalt  }
0x64: {  	_ =	shalt  }
0x65: {  	_ =	shalt  }
0x66: {  	_ =	shalt  }
0x67: {  	_ =	shalt  }
0x68: {  	_ =	shalt  }
0x69: {  	_ =	shalt  }
0x6a: {  	_ =	shalt  }
0x6b: {  	_ =	shalt  }
0x6c: {  	_ =	shalt  }
0x6d: {  	_ =	shalt  }
0x6e: {  	_ =	shalt  }
0x6f: {  	_ =	shalt  }
0x70: {  	_ =	shalt  }
0x71: {  	_ =	shalt  }
0x72: {  	_ =	shalt  }
0x73: {  	_ =	shalt  }
0x74: {  	_ =	shalt  }
0x75: {  	_ =	shalt  }
0x76: {  	_ =	shalt  }
0x77: {  	_ =	shalt  }
0x78: {  	_ =	shalt  }
0x79: {  	_ =	shalt  }
0x7a: {  	_ =	shalt  }
0x7b: {  	_ =	shalt  }
0x7c: {  	_ =	shalt  }
0x7d: {  	_ =	shalt  }
0x7e: {  	_ =	shalt  }
0x7f: {  	_ =	shalt  }
0x80: {  	_ =	shalt  }
0x81: {  	_ =	shalt  }
0x82: {  	_ =	shalt  }
0x83: {  	_ =	shalt  }
0x84: {  	_ =	shalt  }
0x85: {  	_ =	shalt  }
0x86: {  	_ =	shalt  }
0x87: {  	_ =	shalt  }
.Lfunc_end0:
.L_simem_size_0:
called_computation_lowered:
.L_overlay_start_0:
0x88: {  	s0 =	sld [smem:$0x3FD9]  }
0x89: {  	s1 =	sld [smem:$0x3FFE];
	_ =	sdelay $0x3  }
0x8a: {  	s0 =	sadd.s32 s1, s0  }
0x8b: {  	[smem:$0x3FC5] =	sst s0  }
0x8c: {  	_ = 	snop  }
0x8d: {  	s0 =	sld [smem:$0x3FD0];
	_ =	sdelay $0x2  }
0x8e: {  	s13 =	simm.s32 $0xA;
	s2 =	simm.s32 $0x10  }
0x8f: {  	[smem:s2], [sflag:s13] =	dma.local [hbm:s0], $0x1  }
0x90: {  	_ =	swait.eq [sflag:s13], $0x1  }
0x91: {  	[sflag:s13] =	ssyncset.done $0x0  }
0x92: {  	s14 =	sld [smem:$0x10];
	[sflag:s13] =	ssyncadd.s32 $0xFFFFFFFF  }
0x93: {  	s15 =	sld [smem:$0x11];
	(tm) =	ssettm $0x1  }
0x94: {  	s16 =	sld [smem:$0x3FFB];
	_ =	sdelay $0x3  }
0x95: {  	_ =	strace s16  }
0x96: {  	s2 =	sld [smem:$0x3FFC];
	_ =	sdelay $0x3  }
0x97: {  	_ =	strace s2  }
0x98: {  	s2 =	sld [smem:$0x3FFD];
	_ =	sdelay $0x3  }
0x99: {  	_ =	strace s2  }
0x9a: {  	_ =	strace $0x8FFFFFFF  }
0x9b: {  	s17 =	sld [smem:$0x3FDB];
	_ =	sdelay $0x1  }
0x9c: {  	s3 =	simm.s32 $_scs_section_size  }
0x9d: {  	s4 =	simm.s32 $_size__tile_overlayer_lowered;
	s5 =	simm.s32 $_tile_overlayer_lowered  }
0x9e: {  	s20 =	simm.s32 $0x1BFF;
	s19 =	sshll.u32 s5, $0x1;
	s2 =	sadd.s32 s3, s17  }
0x9f: {  	s6 =	simm.s32 $0x0;
	s18 =	sshll.u32 s4, $0x1;
	s4 =	sadd.s32 s19, s2  }
0xa0: {  	[timem:s6], [sflag:s20] =	dma.local [hbm:s4], s18  }
0xa1: {  	_ =	swait.ge [sflag:s20], s18  }
0xa2: {  	s3 =	ssub.s32 $0x0, s18;
	[sflag:s20] =	ssyncset.done $0x0  }
0xa3: {  	[sflag:s20] =	ssyncadd.s32 s3;
	_ =	sdelay $0x1  }
0xa4: {  	s21 =	simm.s32 $0x1B8B  }
0xa5: {  	_ =	swait.ge [sflag:s21], $0x1  }
0xa6: {  	[sflag:s21] =	ssyncset.done $0x0  }
0xa7: {  	s23 =	simm.s32 $0x1B8E;
	s22 =	sld [smem:$0x3FFE];
	[sflag:s21] =	ssyncadd.s32 $0xFFFFFFFF  }
0xa8: {  	s24 =	simm.s32 $execute0_lowered;
	[smem:$0x3FD2] =	sst s23  }
0xa9: {  	s4 =	sshll.u32 s24, $0x1;
	_ =	strace $0x80000046;
	[dreg:$0x1] =	wrdreg $0xFFFFFFFF  }
0xaa: {  	s25 =	simm.s32 $_size_execute0_lowered;
	s2 =	sadd.s32 s2, s4;
	[dreg:$0x0] =	wrdreg $0x0  }
0xab: {  	s4 =	sshll.u32 s25, $0x1;
	[dreg:$0x2] =	wrdreg s2  }
0xac: {  	[dreg:$0x3] =	wrdreg s4  }
0xad: {  	[dreg:$0x4] =	wrdreg $0xC0  }
0xae: {  	_ =	task [dreg:s6], $0x5FFFF  }
0xaf: {  	[dreg:$0x1] =	wrdreg $0xFFFFFFFF  }
0xb0: {  	[dreg:$0x0] =	wrdreg $0x60  }
0xb1: {  	[dreg:$0x2] =	wrdreg s22  }
0xb2: {  	[dreg:$0x3] =	wrdreg s14  }
0xb3: {  	[dreg:$0x4] =	wrdreg s15  }
0xb4: {  	[dreg:$0x5] =	wrdreg $0x9  }
0xb5: {  	_ =	task.clear_ibuf [dreg:s6], $0x6FFFF;
	_ =	strace $0x90000046  }
0xb6: {  	s26 =	simm.s32 $0x9;
	_ =	strace $0x80000048  }
0xb7: {  	_ =	swait.ge [sflag:s26], $0x1  }
0xb8: {  	[sflag:s26] =	ssyncadd.s32 $0xFFFFFFFF  }
0xb9: {  	_ =	strace $0x90000048  }
0xba: {  	_ =	sfence  }
0xbb: {  	s28 =	sld [smem:$0x0];
	_ =	sdelay $0x1  }
0xbc: {  	s29 =	srdreg.scid  }
0xbd: {  	s30 =	sshll.u32 s29, $0xD;
	s31 =	sshrl.u32 s29, $0x2  }
0xbe: {  	s1 =	sand.u32 $0x1, s29;
	s2 =	sand.u32 $0x4000, s30;
	s0 =	sadd.s32 s31, s28  }
0xbf: {  	s1 =	sor.u32 s2, s1;
	s0 =	sshll.u32 s0, $0x11  }
0xc0: {  	s0 =	sor.u32 s0, s1  }
0xc1: {  	s0 =	sadd.s32 $0x8F2B, s0  }
0xc2: {  	[sflag:s0] =	ssyncadd.remote.s32 $0x1  }
0xc3: {  	_ =	sfence.sel $0xFFFF  }
0xc4: {  	[dreg:$0x0] =	wrdreg $0xFFFFFFFF;
	(pc) =	sbr.abs _section_cstart, $3  }
0xc5: {  	[dreg:$0x1] =	wrdreg $0xFFFFFFFF  }
0xc6: {  	_ =	task.clear_ibuf [dreg:s6], $0x2FFFF;
	_ =	strace $0x9FFFFFFF  }
0xc7: {  	(tm) =	ssettm $0x7FFFFFFF  }
tec
execute0_lowered:
.L_overlay_start_1:
0x0: {  	(tag) =	ssettag $0x1  }
0x1: {  	s2 =	rddreg [dreg:$0x0]  }
0x2: {  	s3 =	rddreg [dreg:$0x1]  }
0x3: {  	s4 =	rddreg [dreg:$0x2];
	s1 =	stileid.u32  }
0x4: {  	s0 =	rddreg [dreg:$0x3];
	s5 =	simm.s32 $0x0;
	p0 =	sgt.u32 s1, $0x3  }
0x5: {  	[smem:$0x7FF] =	sst s5;
	s2 =	sadd.s32 $0xC00, s2;
	s5 =	sshll.u32 @!p0 s1, $0x4  }
0x6: {  	_ =	strace $0x80000047;
	s6 =	simm.s32 @!p0 $0x0;
	s2 =	sadd.s32 @!p0 s2, s5  }
0x7: {  	[tilespmem:s6], [sflag:$0x1] =	stream.linear.gather @!p0 [hbm4b:s2+s6], $0x80, $0x38;
	[tilespmem:$0x180] =	vst v63  }
0x8: {  	s2 =	simm.s32 @!p0 $0x1  }
0x9: {  	_ =	swait.ge @!p0 [sflag:s2], $0x80  }
0xa: {  	[sflag:s2] =	ssyncset.done @!p0 $0x0  }
0xb: {  	[sflag:s2] =	ssyncadd.s32 @!p0 $0xFFFFFF80  }
0xc: {  	v0 =	vld @!p0 [tilespmem:$0x0];
	_ =	sdelay $0x4  }
0xd: {  	(xrf0) =	vmax.scan.msk.f32 @!p0 $0xffff, v0;
	_ =	sdelay $0x5  }
0xe: {  	v1, _, _ =	vpop @!p0 (xrf0)  }
0xf: {  	v1 =	vbroadcast @!p0 v1, $0xF;
	_ =	sdelay $0x1  }
0x10: {  	v2 =	vimm.s32 @!p0 $0x0;
	vm0 =	veq.f32 @!p0 v0, v1  }
0x11: {  	v3 =	vsel @!p0 vm0, $0x1, v2  }
0x12: {  	(xrf0) =	vadd.scan.msk.s32 @!p0 $0xffff, v3;
	_ =	sdelay $0x5  }
0x13: {  	v3, _, _ =	vpop @!p0 (xrf0)  }
0x14: {  	vm1 =	veq.s32 @!p0 v3, $0x1  }
0x15: {  	vm0 =	vmand @!p0 vm0, vm1  }
0x16: {  	v3 =	vsel @!p0 vm0, $0xFF800000, v0  }
0x17: {  	(xrf0) =	vmax.scan.msk.f32 @!p0 $0xffff, v3;
	_ =	sdelay $0x5  }
0x18: {  	v4, _, _ =	vpop @!p0 (xrf0)  }
0x19: {  	v0 =	vsub.f32 @!p0 v0, v1;
	v4 =	vbroadcast @!p0 v4, $0xF;
	_ =	sdelay $0x1  }
0x1a: {  	v0 =	vmul.f32 @!p0 $1.442695020e+00, v0;
	vm1 =	veq.f32 @!p0 v3, v4  }
0x1b: {  	v1 =	vsel @!p0 vm1, $0x1, v2  }
0x1c: {  	(erf) = vpow2.f32 @!p0 v0;
	(xrf0) =	vadd.scan.msk.s32 @!p0 $0xffff, v1;
	_ =	sdelay $0x5  }
0x1d: {  	v0, _, _ =	vpop @!p0 (xrf0)  }
0x1e: {  	vm2 =	veq.s32 @!p0 v0, $0x1  }
0x1f: {  	vm1 =	vmand @!p0 vm1, vm2  }
0x20: {  	v0 =	vpop @!p0 (erf);
	vm0 =	vmor @!p0 vm0, vm1  }
0x21: {  	v0 =	vnsel @!p0 vm0, $0x0, v0  }
0x22: {  	(xrf2) =	vadd.scan.msk.f32 @!p0 $0xffff, v0;
	_ =	sdelay $0x9  }
0x23: {  	v1, _, _ =	vpop @!p0 (xrf2)  }
0x24: {  	v1 =	vbroadcast @!p0 v1, $0xF;
	_ =	sdelay $0x1  }
0x25: {  	(erf) = vrcp.f32 @!p0 v1;
	_ =	sdelay $0x8  }
0x26: {  	v1 =	vpop @!p0 (erf)  }
0x27: {  	v0 =	vmul.f32 @!p0 v1, v0  }
0x28: {  	v1 =	vimm.f32 @!p0 $0.0e+00  }
0x29: {  	[tilespmem:$0x80] =	vst @!p0 v0;
	v0 =	vsel @!p0 vm0, $0x3F800000, v1  }
0x2a: {  	s7 =	simm.s32 @!p0 $0x80;
	s3 =	sadd.s32 @!p0 s3, s5;
	[tilespmem:$0x100] =	vst @!p0 v0  }
0x2b: {  	[hbm4b:s3+s6] =	stream.linear.scatter @!p0 [tilespmem:s7], [sflag:$0x1], $0x80, $0x38;
	[tilespmem:$0x180] =	vst v63  }
0x2c: {  	_ =	swait.ge @!p0 [sflag:s2], $0x80  }
0x2d: {  	[sflag:s2] =	ssyncset.done @!p0 $0x0  }
0x2e: {  	s3 =	sadd.s32 @!p0 s4, s5;
	s4 =	simm.s32 @!p0 $0x100;
	[sflag:s2] =	ssyncadd.s32 @!p0 $0xFFFFFF80  }
0x2f: {  	[hbm4b:s3+s6] =	stream.linear.scatter @!p0 [tilespmem:s4], [sflag:$0x1], $0x80, $0x38;
	[tilespmem:$0x180] =	vst v63  }
0x30: {  	_ =	swait.ge @!p0 [sflag:s2], $0x80  }
0x31: {  	[sflag:s2] =	ssyncset.done @!p0 $0x0  }
0x32: {  	[sflag:s2] =	ssyncadd.s32 @!p0 $0xFFFFFF80  }
0x33: {  	_ =	sfence.sel $0x180000  }
0x34: {  	[bflag:$0x0] =	sbarrier.arrive $0xFFFF  }
0x35: {  	p0 =	sne.s32 s1, $0x0;
	_ =	strace $0x90000047  }
0x36: {  	s0 =	sadd.s32 @!p0 $0x100000, s0;
	[bflag:$0x2] =	sbarrier.arrive $0xFFFF  }
0x37: {  	[sflag:s0] =	ssyncadd.tile.s32 @!p0 $0x1;
	_ =	shalt  }
.Lfunc_end2:
_tile_overlayer_lowered:
.L_overlay_start_2:
0x38: {  	(tag) =	ssettag $0x2  }
0x39: {  	s0 =	rddreg [dreg:$0x0];
	s2 =	stileid.u32  }
0x3a: {  	s1 =	rddreg [dreg:$0x1];
	p0 =	sne.s32 s2, $0x0  }
0x3b: {  	s3 =	rddreg [dreg:$0x2];
	[bflag:$0x3] =	sbarrier.arrive $0xFFFF;
	s2 =	simm.s32 @!p0 $0x1C01  }
0x3c: {  	[timem:s3], [sflag:s2] =	dma.local @!p0 [hbm:s0], s1  }
0x3d: {  	s0 =	simm.s32 @!p0 $0x1  }
0x3e: {  	_ =	swait.ge @!p0 [sflag:s0], s1  }
0x3f: {  	s1 =	ssub.s32 @!p0 $0x0, s1;
	[sflag:s0] =	ssyncset.done @!p0 $0x0  }
0x40: {  	[sflag:s0] =	ssyncadd.s32 @!p0 s1  }
0x41: {  	[bflag:$0x3] =	sbarrier.arrive $0xFFFF  }
0x42: {  	_ =	shalt  }

</sc_bundles>
